<compile_context>
chip_gen: v7x
topology: tpu7x:2x2x1
jax: 0.10.2.dev20260603
libtpu: 0.0.44.dev20260713+nightly
codegen_flags: <defaults>
</compile_context>

<pallas_src>
import jax
import jax.numpy as jnp
from jax import lax
from jax.experimental import pallas as pl
from jax.experimental.pallas import tpu as pltpu
from jax.experimental.pallas import tpu_sc as plsc

NC = 2
NS = 16
NW = NC * NS
SEQ = 8192
TOK = SEQ // NW
D = 50
V = 1000000
BLK = 65536
NBLK = (V + BLK - 1) // BLK
VP = NBLK * BLK
HSLC = VP // NS
ZB = HSLC // 8


def _sc_hist(x_hbm, hist_hbm, idx_v, ones_v, zero_v, hist_s, sem, zsem):
    cid = lax.axis_index("c")
    sid = lax.axis_index("s")
    wid = sid * NC + cid

    def zfill(i, _):
        zero_v[pl.ds(i * 16, 16)] = jnp.zeros((16,), jnp.float32)
        return 0

    for j in range(TOK // 128):
        pltpu.async_copy(x_hbm.at[pl.ds(wid * TOK + j * 128, 128)], idx_v.at[j], sem)

    lax.fori_loop(0, ZB // 16, zfill, 0)

    def ofill(i, _):
        ones_v[pl.ds(i * 16, 16)] = jnp.ones((16,), jnp.float32)
        return 0

    lax.fori_loop(0, 128 // 16, ofill, 0)
    for r in range(8):
        pltpu.async_copy(zero_v, hist_s.at[pl.ds(sid * HSLC + r * ZB, ZB)], zsem)
    for j in range(TOK // 128):
        pltpu.make_async_copy(x_hbm.at[pl.ds(wid * TOK + j * 128, 128)], idx_v.at[j], sem).wait()
    for r in range(8):
        pltpu.make_async_copy(zero_v, hist_s.at[pl.ds(sid * HSLC + r * ZB, ZB)], zsem).wait()
    plsc.subcore_barrier()
    for j in range(TOK // 128):
        pltpu.sync_copy(ones_v, hist_s.at[idx_v.at[j]], add=True)
    plsc.subcore_barrier()

    pltpu.sync_copy(
        hist_s.at[pl.ds(sid * HSLC, HSLC)],
        hist_hbm.at[pl.ds(cid * VP + sid * HSLC, HSLC)],
    )


@jax.jit
def _stage1(x1d):
    mesh = plsc.VectorSubcoreMesh(core_axis_name="c", subcore_axis_name="s")
    f = pl.kernel(
        _sc_hist,
        out_type=jax.ShapeDtypeStruct((NC * VP,), jnp.float32),
        mesh=mesh,
        scratch_types=[
            pltpu.VMEM((TOK // 128, 128), jnp.int32),
            pltpu.VMEM((128,), jnp.float32),
            pltpu.VMEM((ZB,), jnp.float32),
            pltpu.VMEM_SHARED((VP,), jnp.float32),
            pltpu.SemaphoreType.DMA,
            pltpu.SemaphoreType.DMA,
        ],
    )
    return f(x1d)


def _tc_contract(embt_ref, hist0_ref, hist1_ref, w8_ref, b8_ref, out_ref,
                 s_ref, c_ref):
    i = pl.program_id(0)

    @pl.when(i == 0)
    def _():
        s_ref[...] = jnp.zeros_like(s_ref)
        c_ref[...] = jnp.zeros_like(c_ref)

    h = (hist0_ref[...] + hist1_ref[...]).reshape(1, BLK)

    def accumulate(e):
        eh = e * h
        mh = jnp.where(e != 0.0, h, 0.0)
        s_ref[...] += jnp.sum(eh, axis=1, keepdims=True)
        c_ref[...] += jnp.sum(mh, axis=1, keepdims=True)

    @pl.when(i < NBLK - 1)
    def _():
        accumulate(embt_ref[...])

    @pl.when(i == NBLK - 1)
    def _():
        col = lax.broadcasted_iota(jnp.int32, (D, BLK), 1)
        accumulate(jnp.where(col < V - (NBLK - 1) * BLK, embt_ref[...], 0.0))
        s_col = s_ref[...]
        ms_col = c_ref[...]
        sw = lax.dot_general(s_col, w8_ref[...],
                             (((0,), (1,)), ((), ())),
                             preferred_element_type=jnp.float32)
        denom = ms_col + jnp.where(ms_col == 0.0, 1e-10, 0.0)
        out_ref[...] = (1.0 / denom) * sw + b8_ref[...]


@jax.jit
def _stage2(embt, hist, w8, b8):
    return pl.pallas_call(
        _tc_contract,
        grid=(NBLK,),
        in_specs=[
            pl.BlockSpec((D, BLK), lambda i: (0, i)),
            pl.BlockSpec((BLK,), lambda i: (i,)),
            pl.BlockSpec((BLK,), lambda i: (NBLK + i,)),
            pl.BlockSpec((8, D), lambda i: (0, 0)),
            pl.BlockSpec((1, 8), lambda i: (0, 0)),
        ],
        out_specs=pl.BlockSpec((D, 8), lambda i: (0, 0)),
        out_shape=jax.ShapeDtypeStruct((D, 8), jnp.float32),
        scratch_shapes=[
            pltpu.VMEM((D, 1), jnp.float32),
            pltpu.VMEM((D, 1), jnp.float32),
        ],
    )(embt, hist, hist, w8, b8)


def kernel(x, emb, W, b):
    hist = _stage1(x.reshape(SEQ))
    embt = jnp.swapaxes(emb, 0, 1)
    w8 = jnp.zeros((8, D), jnp.float32).at[:3].set(W)
    b8 = jnp.zeros((1, 8), jnp.float32).at[0, :3].set(b)
    y = _stage2(embt, hist, w8, b8)
    return y[:, :3][None]

# --- scband reference (transcript-rebuilt; emitter-appended) ---
"""Pipeline reference for scband-sentiment-model-45268955300268 (READ-ONLY COPY).

The authoritative reference and input builder live on the scoring server;
editing this copy changes nothing except your own understanding.
"""

import jax, jax.numpy as jnp
import numpy as np

VOCAB = 1000000
EMB = 50
OUT = 3
SEQ = 8192


def setup_inputs(seed: int = 0) -> dict:
    key = jax.random.key(seed)
    k1, k2, k3, k4 = jax.random.split(key, 4)
    x = jax.random.randint(k1, (1, SEQ), 0, VOCAB, dtype=jnp.int32)
    emb = jax.random.normal(k2, (VOCAB, EMB), dtype=jnp.float32) * 0.02
    emb = emb.at[0].set(0.0)  # padding_idx=0 row initialized to zeros, as in nn.Embedding
    W = jax.random.normal(k3, (OUT, EMB), dtype=jnp.float32) * 0.1
    b = jax.random.normal(k4, (OUT,), dtype=jnp.float32) * 0.1
    return {"x": x, "emb": emb, "W": W, "b": b}


def reference(x, emb, W, b):
    # x: int[1, SEQ] token indices
    e = jnp.take(emb, x, axis=0)                    # (1, SEQ, 50)  embedding gather
    mask = (e != 0).astype(jnp.float32)             # (1, SEQ, 50)  NOTE: mask computed on embedded values, faithful to original
    s = jnp.sum(e, axis=1)                          # (1, 50)
    ms = jnp.sum(mask, axis=1)                      # (1, 50)
    ms = ms + (ms == 0).astype(jnp.float32) * 1e-10 # (1, 50)
    out = s / ms[..., None]                         # (1,50) / (1,50,1) broadcasts to (1, 50, 50) -- faithful to torch semantics with batch=1
    y = out @ W.T + b                               # (1, 50, 3)
    return y

if __name__ == "__main__":
    import jax
    _d = setup_inputs()
    print(jax.jit(kernel)(*tuple(_d.values())))

</pallas_src>

<mosaic_0001>
#map = affine_map<(d0, d1) -> (0)>
module attributes {stable_mosaic.version = 14 : i64} {
  func.func @_sc_hist(%arg0: i32, %arg1: i32, %arg2: memref<8192xi32, #tpu.memory_space<hbm>>, %arg3: memref<2097152xf32, #tpu.memory_space<hbm>>, %arg4: memref<2x128xi32, #tpu.memory_space<vmem>>, %arg5: memref<128xf32, #tpu.memory_space<vmem>>, %arg6: memref<8192xf32, #tpu.memory_space<vmem>>, %arg7: memref<1048576xf32, #tpu.memory_space<vmem_shared>>, %arg8: memref<!tpu.dma_semaphore, #tpu.memory_space<semaphore_mem>>, %arg9: memref<!tpu.dma_semaphore, #tpu.memory_space<semaphore_mem>>) attributes {dimension_semantics = [#tpu.dimension_semantics<core_parallel>, #tpu.dimension_semantics<subcore_parallel>], iteration_bounds = array<i64: 2, 16>, scalar_prefetch = 0 : i64, scratch_operands = 6 : i64, tpu.core_type = #tpu.core_type<sc_vector_subcore>, window_params = [{transform_indices = #map}, {transform_indices = #map}]} {
    %mul3A = arith.constant 2 : i32
    %mul3A_0 = arith.muli %arg1, %mul3A : i32
    %add3A = arith.addi %mul3A_0, %arg0 : i32
    %mul3A_1 = arith.constant 256 : i32
    %mul3A_2 = arith.muli %add3A, %mul3A_1 : i32
    %add3A_3 = arith.constant 0 : i32
    %add3A_4 = arith.addi %mul3A_2, %add3A_3 : i32
    %dma_start3A = arith.constant 0 : i32
    %dma_start3A_5 = arith.constant 0 : i32
    %dma_start3A_6 = tpu.memref_slice %arg4[%dma_start3A, %dma_start3A_5] : memref<2x128xi32, #tpu.memory_space<vmem>> -> memref<1x128xi32, #tpu.memory_space<vmem>>
    %dma_start3A_7 = tpu.memref_squeeze %dma_start3A_6 : memref<1x128xi32, #tpu.memory_space<vmem>> -> memref<128xi32, #tpu.memory_space<vmem>>
    %dma_start3A_8 = tpu.memref_slice %arg2[%add3A_4] : memref<8192xi32, #tpu.memory_space<hbm>> -> memref<128xi32, #tpu.memory_space<hbm>>
    %dma_start3A_9 = arith.constant 0 : i32
    %dma_start3A_10 = tpu.memref_slice %arg4[%dma_start3A, %dma_start3A_9] : memref<2x128xi32, #tpu.memory_space<vmem>> -> memref<1x128xi32, #tpu.memory_space<vmem>>
    %dma_start3A_11 = tpu.memref_squeeze %dma_start3A_10 : memref<1x128xi32, #tpu.memory_space<vmem>> -> memref<128xi32, #tpu.memory_space<vmem>>
    %dma_start3A_12 = tpu.memref_slice %arg2[%add3A_4] : memref<8192xi32, #tpu.memory_space<hbm>> -> memref<128xi32, #tpu.memory_space<hbm>>
    tpu.enqueue_dma source(%dma_start3A_12 : memref<128xi32, #tpu.memory_space<hbm>>) target(%dma_start3A_11 : memref<128xi32, #tpu.memory_space<vmem>>) target_semaphore(%arg8 : memref<!tpu.dma_semaphore, #tpu.memory_space<semaphore_mem>>)
    %mul3A_13 = arith.constant 256 : i32
    %mul3A_14 = arith.muli %add3A, %mul3A_13 : i32
    %add3A_15 = arith.constant 128 : i32
    %add3A_16 = arith.addi %mul3A_14, %add3A_15 : i32
    %dma_start3A_17 = arith.constant 1 : i32
    %dma_start3A_18 = arith.constant 0 : i32
    %dma_start3A_19 = tpu.memref_slice %arg4[%dma_start3A_17, %dma_start3A_18] : memref<2x128xi32, #tpu.memory_space<vmem>> -> memref<1x128xi32, #tpu.memory_space<vmem>>
    %dma_start3A_20 = tpu.memref_squeeze %dma_start3A_19 : memref<1x128xi32, #tpu.memory_space<vmem>> -> memref<128xi32, #tpu.memory_space<vmem>>
    %dma_start3A_21 = tpu.memref_slice %arg2[%add3A_16] : memref<8192xi32, #tpu.memory_space<hbm>> -> memref<128xi32, #tpu.memory_space<hbm>>
    %dma_start3A_22 = arith.constant 0 : i32
    %dma_start3A_23 = tpu.memref_slice %arg4[%dma_start3A_17, %dma_start3A_22] : memref<2x128xi32, #tpu.memory_space<vmem>> -> memref<1x128xi32, #tpu.memory_space<vmem>>
    %dma_start3A_24 = tpu.memref_squeeze %dma_start3A_23 : memref<1x128xi32, #tpu.memory_space<vmem>> -> memref<128xi32, #tpu.memory_space<vmem>>
    %dma_start3A_25 = tpu.memref_slice %arg2[%add3A_16] : memref<8192xi32, #tpu.memory_space<hbm>> -> memref<128xi32, #tpu.memory_space<hbm>>
    tpu.enqueue_dma source(%dma_start3A_25 : memref<128xi32, #tpu.memory_space<hbm>>) target(%dma_start3A_24 : memref<128xi32, #tpu.memory_space<vmem>>) target_semaphore(%arg8 : memref<!tpu.dma_semaphore, #tpu.memory_space<semaphore_mem>>)
    %scan3A = arith.constant 0 : i32
    %scan3A_26 = arith.constant 0 : i32
    %scan3A_27 = arith.constant 512 : i32
    %scan3A_28 = arith.addi %scan3A_26, %scan3A_27 : i32
    %scan3A_29 = arith.constant 1 : i32
    %scan3A_30 = scf.for %scan3A_169 = %scan3A_26 to %scan3A_28 step %scan3A_29 iter_args(%scan3A_170 = %scan3A) -> (i32)  : i32 {
      %broadcast_in_dim3A = arith.constant 0.000000e+00 : f32
      %broadcast_in_dim3A_171 = vector.broadcast %broadcast_in_dim3A : f32 to vector<16xf32>
      %mul3A_172 = arith.constant 16 : i32
      %mul3A_173 = arith.muli %scan3A_169, %mul3A_172 : i32
      %swap3A = arith.index_cast %mul3A_173 : i32 to index
      %swap3A_174 = tpu.vector_load %arg6[%swap3A] {strides = array<i32>} : memref<8192xf32, #tpu.memory_space<vmem>>, vector<16xf32>,
      %swap3A_175 = vector.shape_cast %swap3A_174 : vector<16xf32> to vector<16xf32>
      %swap3A_176 = vector.shape_cast %broadcast_in_dim3A_171 : vector<16xf32> to vector<16xf32>
      tpu.vector_store %arg6[%swap3A], %swap3A_176 {strides = array<i32>} : memref<8192xf32, #tpu.memory_space<vmem>>, vector<16xf32>,
      %scan3A_177 = arith.constant 0 : i32
      scf.yield %scan3A_177 : i32
    }
    %scan3A_31 = arith.constant 512 : i32
    %scan3A_32 = arith.constant 0 : i32
    %scan3A_33 = arith.constant 0 : i32
    %scan3A_34 = arith.constant 8 : i32
    %scan3A_35 = arith.addi %scan3A_33, %scan3A_34 : i32
    %scan3A_36 = arith.constant 1 : i32
    %scan3A_37 = scf.for %scan3A_169 = %scan3A_33 to %scan3A_35 step %scan3A_36 iter_args(%scan3A_170 = %scan3A_32) -> (i32)  : i32 {
      %broadcast_in_dim3A = arith.constant 1.000000e+00 : f32
      %broadcast_in_dim3A_171 = vector.broadcast %broadcast_in_dim3A : f32 to vector<16xf32>
      %mul3A_172 = arith.constant 16 : i32
      %mul3A_173 = arith.muli %scan3A_169, %mul3A_172 : i32
      %swap3A = arith.index_cast %mul3A_173 : i32 to index
      %swap3A_174 = tpu.vector_load %arg5[%swap3A] {strides = array<i32>} : memref<128xf32, #tpu.memory_space<vmem>>, vector<16xf32>,
      %swap3A_175 = vector.shape_cast %swap3A_174 : vector<16xf32> to vector<16xf32>
      %swap3A_176 = vector.shape_cast %broadcast_in_dim3A_171 : vector<16xf32> to vector<16xf32>
      tpu.vector_store %arg5[%swap3A], %swap3A_176 {strides = array<i32>} : memref<128xf32, #tpu.memory_space<vmem>>, vector<16xf32>,
      %scan3A_177 = arith.constant 0 : i32
      scf.yield %scan3A_177 : i32
    }
    %scan3A_38 = arith.constant 8 : i32
    %mul3A_39 = arith.constant 65536 : i32
    %mul3A_40 = arith.muli %arg1, %mul3A_39 : i32
    %add3A_41 = arith.constant 0 : i32
    %add3A_42 = arith.addi %mul3A_40, %add3A_41 : i32
    %dma_start3A_43 = tpu.memref_slice %arg7[%add3A_42] : memref<1048576xf32, #tpu.memory_space<vmem_shared>> -> memref<8192xf32, #tpu.memory_space<vmem_shared>>
    %dma_start3A_44 = tpu.memref_slice %arg7[%add3A_42] : memref<1048576xf32, #tpu.memory_space<vmem_shared>> -> memref<8192xf32, #tpu.memory_space<vmem_shared>>
    tpu.enqueue_dma source(%arg6 : memref<8192xf32, #tpu.memory_space<vmem>>) target(%dma_start3A_44 : memref<8192xf32, #tpu.memory_space<vmem_shared>>) target_semaphore(%arg9 : memref<!tpu.dma_semaphore, #tpu.memory_space<semaphore_mem>>)
    %mul3A_45 = arith.constant 65536 : i32
    %mul3A_46 = arith.muli %arg1, %mul3A_45 : i32
    %add3A_47 = arith.constant 8192 : i32
    %add3A_48 = arith.addi %mul3A_46, %add3A_47 : i32
    %dma_start3A_49 = tpu.memref_slice %arg7[%add3A_48] : memref<1048576xf32, #tpu.memory_space<vmem_shared>> -> memref<8192xf32, #tpu.memory_space<vmem_shared>>
    %dma_start3A_50 = tpu.memref_slice %arg7[%add3A_48] : memref<1048576xf32, #tpu.memory_space<vmem_shared>> -> memref<8192xf32, #tpu.memory_space<vmem_shared>>
    tpu.enqueue_dma source(%arg6 : memref<8192xf32, #tpu.memory_space<vmem>>) target(%dma_start3A_50 : memref<8192xf32, #tpu.memory_space<vmem_shared>>) target_semaphore(%arg9 : memref<!tpu.dma_semaphore, #tpu.memory_space<semaphore_mem>>)
    %mul3A_51 = arith.constant 65536 : i32
    %mul3A_52 = arith.muli %arg1, %mul3A_51 : i32
    %add3A_53 = arith.constant 16384 : i32
    %add3A_54 = arith.addi %mul3A_52, %add3A_53 : i32
    %dma_start3A_55 = tpu.memref_slice %arg7[%add3A_54] : memref<1048576xf32, #tpu.memory_space<vmem_shared>> -> memref<8192xf32, #tpu.memory_space<vmem_shared>>
    %dma_start3A_56 = tpu.memref_slice %arg7[%add3A_54] : memref<1048576xf32, #tpu.memory_space<vmem_shared>> -> memref<8192xf32, #tpu.memory_space<vmem_shared>>
    tpu.enqueue_dma source(%arg6 : memref<8192xf32, #tpu.memory_space<vmem>>) target(%dma_start3A_56 : memref<8192xf32, #tpu.memory_space<vmem_shared>>) target_semaphore(%arg9 : memref<!tpu.dma_semaphore, #tpu.memory_space<semaphore_mem>>)
    %mul3A_57 = arith.constant 65536 : i32
    %mul3A_58 = arith.muli %arg1, %mul3A_57 : i32
    %add3A_59 = arith.constant 24576 : i32
    %add3A_60 = arith.addi %mul3A_58, %add3A_59 : i32
    %dma_start3A_61 = tpu.memref_slice %arg7[%add3A_60] : memref<1048576xf32, #tpu.memory_space<vmem_shared>> -> memref<8192xf32, #tpu.memory_space<vmem_shared>>
    %dma_start3A_62 = tpu.memref_slice %arg7[%add3A_60] : memref<1048576xf32, #tpu.memory_space<vmem_shared>> -> memref<8192xf32, #tpu.memory_space<vmem_shared>>
    tpu.enqueue_dma source(%arg6 : memref<8192xf32, #tpu.memory_space<vmem>>) target(%dma_start3A_62 : memref<8192xf32, #tpu.memory_space<vmem_shared>>) target_semaphore(%arg9 : memref<!tpu.dma_semaphore, #tpu.memory_space<semaphore_mem>>)
    %mul3A_63 = arith.constant 65536 : i32
    %mul3A_64 = arith.muli %arg1, %mul3A_63 : i32
    %add3A_65 = arith.constant 32768 : i32
    %add3A_66 = arith.addi %mul3A_64, %add3A_65 : i32
    %dma_start3A_67 = tpu.memref_slice %arg7[%add3A_66] : memref<1048576xf32, #tpu.memory_space<vmem_shared>> -> memref<8192xf32, #tpu.memory_space<vmem_shared>>
    %dma_start3A_68 = tpu.memref_slice %arg7[%add3A_66] : memref<1048576xf32, #tpu.memory_space<vmem_shared>> -> memref<8192xf32, #tpu.memory_space<vmem_shared>>
    tpu.enqueue_dma source(%arg6 : memref<8192xf32, #tpu.memory_space<vmem>>) target(%dma_start3A_68 : memref<8192xf32, #tpu.memory_space<vmem_shared>>) target_semaphore(%arg9 : memref<!tpu.dma_semaphore, #tpu.memory_space<semaphore_mem>>)
    %mul3A_69 = arith.constant 65536 : i32
    %mul3A_70 = arith.muli %arg1, %mul3A_69 : i32
    %add3A_71 = arith.constant 40960 : i32
    %add3A_72 = arith.addi %mul3A_70, %add3A_71 : i32
    %dma_start3A_73 = tpu.memref_slice %arg7[%add3A_72] : memref<1048576xf32, #tpu.memory_space<vmem_shared>> -> memref<8192xf32, #tpu.memory_space<vmem_shared>>
    %dma_start3A_74 = tpu.memref_slice %arg7[%add3A_72] : memref<1048576xf32, #tpu.memory_space<vmem_shared>> -> memref<8192xf32, #tpu.memory_space<vmem_shared>>
    tpu.enqueue_dma source(%arg6 : memref<8192xf32, #tpu.memory_space<vmem>>) target(%dma_start3A_74 : memref<8192xf32, #tpu.memory_space<vmem_shared>>) target_semaphore(%arg9 : memref<!tpu.dma_semaphore, #tpu.memory_space<semaphore_mem>>)
    %mul3A_75 = arith.constant 65536 : i32
    %mul3A_76 = arith.muli %arg1, %mul3A_75 : i32
    %add3A_77 = arith.constant 49152 : i32
    %add3A_78 = arith.addi %mul3A_76, %add3A_77 : i32
    %dma_start3A_79 = tpu.memref_slice %arg7[%add3A_78] : memref<1048576xf32, #tpu.memory_space<vmem_shared>> -> memref<8192xf32, #tpu.memory_space<vmem_shared>>
    %dma_start3A_80 = tpu.memref_slice %arg7[%add3A_78] : memref<1048576xf32, #tpu.memory_space<vmem_shared>> -> memref<8192xf32, #tpu.memory_space<vmem_shared>>
    tpu.enqueue_dma source(%arg6 : memref<8192xf32, #tpu.memory_space<vmem>>) target(%dma_start3A_80 : memref<8192xf32, #tpu.memory_space<vmem_shared>>) target_semaphore(%arg9 : memref<!tpu.dma_semaphore, #tpu.memory_space<semaphore_mem>>)
    %mul3A_81 = arith.constant 65536 : i32
    %mul3A_82 = arith.muli %arg1, %mul3A_81 : i32
    %add3A_83 = arith.constant 57344 : i32
    %add3A_84 = arith.addi %mul3A_82, %add3A_83 : i32
    %dma_start3A_85 = tpu.memref_slice %arg7[%add3A_84] : memref<1048576xf32, #tpu.memory_space<vmem_shared>> -> memref<8192xf32, #tpu.memory_space<vmem_shared>>
    %dma_start3A_86 = tpu.memref_slice %arg7[%add3A_84] : memref<1048576xf32, #tpu.memory_space<vmem_shared>> -> memref<8192xf32, #tpu.memory_space<vmem_shared>>
    tpu.enqueue_dma source(%arg6 : memref<8192xf32, #tpu.memory_space<vmem>>) target(%dma_start3A_86 : memref<8192xf32, #tpu.memory_space<vmem_shared>>) target_semaphore(%arg9 : memref<!tpu.dma_semaphore, #tpu.memory_space<semaphore_mem>>)
    %mul3A_87 = arith.constant 256 : i32
    %mul3A_88 = arith.muli %add3A, %mul3A_87 : i32
    %add3A_89 = arith.constant 0 : i32
    %add3A_90 = arith.addi %mul3A_88, %add3A_89 : i32
    %dma_wait3A = arith.constant 0 : i32
    %dma_wait3A_91 = arith.constant 0 : i32
    %dma_wait3A_92 = tpu.memref_slice %arg4[%dma_wait3A, %dma_wait3A_91] : memref<2x128xi32, #tpu.memory_space<vmem>> -> memref<1x128xi32, #tpu.memory_space<vmem>>
    %dma_wait3A_93 = tpu.memref_squeeze %dma_wait3A_92 : memref<1x128xi32, #tpu.memory_space<vmem>> -> memref<128xi32, #tpu.memory_space<vmem>>
    %dma_wait3A_94 = tpu.memref_slice %arg2[%add3A_90] : memref<8192xi32, #tpu.memory_space<hbm>> -> memref<128xi32, #tpu.memory_space<hbm>>
    %dma_wait3A_95 = arith.constant 0 : i32
    %dma_wait3A_96 = tpu.memref_slice %arg4[%dma_wait3A, %dma_wait3A_95] : memref<2x128xi32, #tpu.memory_space<vmem>> -> memref<1x128xi32, #tpu.memory_space<vmem>>
    %dma_wait3A_97 = tpu.memref_squeeze %dma_wait3A_96 : memref<1x128xi32, #tpu.memory_space<vmem>> -> memref<128xi32, #tpu.memory_space<vmem>>
    %dma_wait3A_98 = tpu.memref_slice %arg2[%add3A_90] : memref<8192xi32, #tpu.memory_space<hbm>> -> memref<128xi32, #tpu.memory_space<hbm>>
    tpu.wait_dma2 semaphore(%arg8 : memref<!tpu.dma_semaphore, #tpu.memory_space<semaphore_mem>>) src(%dma_wait3A_98 : memref<128xi32, #tpu.memory_space<hbm>>) dst(%dma_wait3A_97 : memref<128xi32, #tpu.memory_space<vmem>>)
    %mul3A_99 = arith.constant 256 : i32
    %mul3A_100 = arith.muli %add3A, %mul3A_99 : i32
    %add3A_101 = arith.constant 128 : i32
    %add3A_102 = arith.addi %mul3A_100, %add3A_101 : i32
    %dma_wait3A_103 = arith.constant 1 : i32
    %dma_wait3A_104 = arith.constant 0 : i32
    %dma_wait3A_105 = tpu.memref_slice %arg4[%dma_wait3A_103, %dma_wait3A_104] : memref<2x128xi32, #tpu.memory_space<vmem>> -> memref<1x128xi32, #tpu.memory_space<vmem>>
    %dma_wait3A_106 = tpu.memref_squeeze %dma_wait3A_105 : memref<1x128xi32, #tpu.memory_space<vmem>> -> memref<128xi32, #tpu.memory_space<vmem>>
    %dma_wait3A_107 = tpu.memref_slice %arg2[%add3A_102] : memref<8192xi32, #tpu.memory_space<hbm>> -> memref<128xi32, #tpu.memory_space<hbm>>
    %dma_wait3A_108 = arith.constant 0 : i32
    %dma_wait3A_109 = tpu.memref_slice %arg4[%dma_wait3A_103, %dma_wait3A_108] : memref<2x128xi32, #tpu.memory_space<vmem>> -> memref<1x128xi32, #tpu.memory_space<vmem>>
    %dma_wait3A_110 = tpu.memref_squeeze %dma_wait3A_109 : memref<1x128xi32, #tpu.memory_space<vmem>> -> memref<128xi32, #tpu.memory_space<vmem>>
    %dma_wait3A_111 = tpu.memref_slice %arg2[%add3A_102] : memref<8192xi32, #tpu.memory_space<hbm>> -> memref<128xi32, #tpu.memory_space<hbm>>
    tpu.wait_dma2 semaphore(%arg8 : memref<!tpu.dma_semaphore, #tpu.memory_space<semaphore_mem>>) src(%dma_wait3A_111 : memref<128xi32, #tpu.memory_space<hbm>>) dst(%dma_wait3A_110 : memref<128xi32, #tpu.memory_space<vmem>>)
    %mul3A_112 = arith.constant 65536 : i32
    %mul3A_113 = arith.muli %arg1, %mul3A_112 : i32
    %add3A_114 = arith.constant 0 : i32
    %add3A_115 = arith.addi %mul3A_113, %add3A_114 : i32
    %dma_wait3A_116 = tpu.memref_slice %arg7[%add3A_115] : memref<1048576xf32, #tpu.memory_space<vmem_shared>> -> memref<8192xf32, #tpu.memory_space<vmem_shared>>
    %dma_wait3A_117 = tpu.memref_slice %arg7[%add3A_115] : memref<1048576xf32, #tpu.memory_space<vmem_shared>> -> memref<8192xf32, #tpu.memory_space<vmem_shared>>
    tpu.wait_dma2 semaphore(%arg9 : memref<!tpu.dma_semaphore, #tpu.memory_space<semaphore_mem>>) src(%arg6 : memref<8192xf32, #tpu.memory_space<vmem>>) dst(%dma_wait3A_117 : memref<8192xf32, #tpu.memory_space<vmem_shared>>)
    %mul3A_118 = arith.constant 65536 : i32
    %mul3A_119 = arith.muli %arg1, %mul3A_118 : i32
    %add3A_120 = arith.constant 8192 : i32
    %add3A_121 = arith.addi %mul3A_119, %add3A_120 : i32
    %dma_wait3A_122 = tpu.memref_slice %arg7[%add3A_121] : memref<1048576xf32, #tpu.memory_space<vmem_shared>> -> memref<8192xf32, #tpu.memory_space<vmem_shared>>
    %dma_wait3A_123 = tpu.memref_slice %arg7[%add3A_121] : memref<1048576xf32, #tpu.memory_space<vmem_shared>> -> memref<8192xf32, #tpu.memory_space<vmem_shared>>
    tpu.wait_dma2 semaphore(%arg9 : memref<!tpu.dma_semaphore, #tpu.memory_space<semaphore_mem>>) src(%arg6 : memref<8192xf32, #tpu.memory_space<vmem>>) dst(%dma_wait3A_123 : memref<8192xf32, #tpu.memory_space<vmem_shared>>)
    %mul3A_124 = arith.constant 65536 : i32
    %mul3A_125 = arith.muli %arg1, %mul3A_124 : i32
    %add3A_126 = arith.constant 16384 : i32
    %add3A_127 = arith.addi %mul3A_125, %add3A_126 : i32
    %dma_wait3A_128 = tpu.memref_slice %arg7[%add3A_127] : memref<1048576xf32, #tpu.memory_space<vmem_shared>> -> memref<8192xf32, #tpu.memory_space<vmem_shared>>
    %dma_wait3A_129 = tpu.memref_slice %arg7[%add3A_127] : memref<1048576xf32, #tpu.memory_space<vmem_shared>> -> memref<8192xf32, #tpu.memory_space<vmem_shared>>
    tpu.wait_dma2 semaphore(%arg9 : memref<!tpu.dma_semaphore, #tpu.memory_space<semaphore_mem>>) src(%arg6 : memref<8192xf32, #tpu.memory_space<vmem>>) dst(%dma_wait3A_129 : memref<8192xf32, #tpu.memory_space<vmem_shared>>)
    %mul3A_130 = arith.constant 65536 : i32
    %mul3A_131 = arith.muli %arg1, %mul3A_130 : i32
    %add3A_132 = arith.constant 24576 : i32
    %add3A_133 = arith.addi %mul3A_131, %add3A_132 : i32
    %dma_wait3A_134 = tpu.memref_slice %arg7[%add3A_133] : memref<1048576xf32, #tpu.memory_space<vmem_shared>> -> memref<8192xf32, #tpu.memory_space<vmem_shared>>
    %dma_wait3A_135 = tpu.memref_slice %arg7[%add3A_133] : memref<1048576xf32, #tpu.memory_space<vmem_shared>> -> memref<8192xf32, #tpu.memory_space<vmem_shared>>
    tpu.wait_dma2 semaphore(%arg9 : memref<!tpu.dma_semaphore, #tpu.memory_space<semaphore_mem>>) src(%arg6 : memref<8192xf32, #tpu.memory_space<vmem>>) dst(%dma_wait3A_135 : memref<8192xf32, #tpu.memory_space<vmem_shared>>)
    %mul3A_136 = arith.constant 65536 : i32
    %mul3A_137 = arith.muli %arg1, %mul3A_136 : i32
    %add3A_138 = arith.constant 32768 : i32
    %add3A_139 = arith.addi %mul3A_137, %add3A_138 : i32
    %dma_wait3A_140 = tpu.memref_slice %arg7[%add3A_139] : memref<1048576xf32, #tpu.memory_space<vmem_shared>> -> memref<8192xf32, #tpu.memory_space<vmem_shared>>
    %dma_wait3A_141 = tpu.memref_slice %arg7[%add3A_139] : memref<1048576xf32, #tpu.memory_space<vmem_shared>> -> memref<8192xf32, #tpu.memory_space<vmem_shared>>
    tpu.wait_dma2 semaphore(%arg9 : memref<!tpu.dma_semaphore, #tpu.memory_space<semaphore_mem>>) src(%arg6 : memref<8192xf32, #tpu.memory_space<vmem>>) dst(%dma_wait3A_141 : memref<8192xf32, #tpu.memory_space<vmem_shared>>)
    %mul3A_142 = arith.constant 65536 : i32
    %mul3A_143 = arith.muli %arg1, %mul3A_142 : i32
    %add3A_144 = arith.constant 40960 : i32
    %add3A_145 = arith.addi %mul3A_143, %add3A_144 : i32
    %dma_wait3A_146 = tpu.memref_slice %arg7[%add3A_145] : memref<1048576xf32, #tpu.memory_space<vmem_shared>> -> memref<8192xf32, #tpu.memory_space<vmem_shared>>
    %dma_wait3A_147 = tpu.memref_slice %arg7[%add3A_145] : memref<1048576xf32, #tpu.memory_space<vmem_shared>> -> memref<8192xf32, #tpu.memory_space<vmem_shared>>
    tpu.wait_dma2 semaphore(%arg9 : memref<!tpu.dma_semaphore, #tpu.memory_space<semaphore_mem>>) src(%arg6 : memref<8192xf32, #tpu.memory_space<vmem>>) dst(%dma_wait3A_147 : memref<8192xf32, #tpu.memory_space<vmem_shared>>)
    %mul3A_148 = arith.constant 65536 : i32
    %mul3A_149 = arith.muli %arg1, %mul3A_148 : i32
    %add3A_150 = arith.constant 49152 : i32
    %add3A_151 = arith.addi %mul3A_149, %add3A_150 : i32
    %dma_wait3A_152 = tpu.memref_slice %arg7[%add3A_151] : memref<1048576xf32, #tpu.memory_space<vmem_shared>> -> memref<8192xf32, #tpu.memory_space<vmem_shared>>
    %dma_wait3A_153 = tpu.memref_slice %arg7[%add3A_151] : memref<1048576xf32, #tpu.memory_space<vmem_shared>> -> memref<8192xf32, #tpu.memory_space<vmem_shared>>
    tpu.wait_dma2 semaphore(%arg9 : memref<!tpu.dma_semaphore, #tpu.memory_space<semaphore_mem>>) src(%arg6 : memref<8192xf32, #tpu.memory_space<vmem>>) dst(%dma_wait3A_153 : memref<8192xf32, #tpu.memory_space<vmem_shared>>)
    %mul3A_154 = arith.constant 65536 : i32
    %mul3A_155 = arith.muli %arg1, %mul3A_154 : i32
    %add3A_156 = arith.constant 57344 : i32
    %add3A_157 = arith.addi %mul3A_155, %add3A_156 : i32
    %dma_wait3A_158 = tpu.memref_slice %arg7[%add3A_157] : memref<1048576xf32, #tpu.memory_space<vmem_shared>> -> memref<8192xf32, #tpu.memory_space<vmem_shared>>
    %dma_wait3A_159 = tpu.memref_slice %arg7[%add3A_157] : memref<1048576xf32, #tpu.memory_space<vmem_shared>> -> memref<8192xf32, #tpu.memory_space<vmem_shared>>
    tpu.wait_dma2 semaphore(%arg9 : memref<!tpu.dma_semaphore, #tpu.memory_space<semaphore_mem>>) src(%arg6 : memref<8192xf32, #tpu.memory_space<vmem>>) dst(%dma_wait3A_159 : memref<8192xf32, #tpu.memory_space<vmem_shared>>)
    %barrier3A = arith.constant 0 : index
    tpu.barrier barrier_id(%barrier3A)
    %run_scoped3A = arith.constant 0 : i32
    "tpu.region"() ({
      %run_scoped3A_169 = tpu.sem_alloc : memref<!tpu.dma_semaphore, #tpu.memory_space<semaphore_mem>>
      %dma_start3A_170 = arith.constant 0 : i32
      %dma_start3A_171 = tpu.memref_slice %arg4[%run_scoped3A, %dma_start3A_170] : memref<2x128xi32, #tpu.memory_space<vmem>> -> memref<1x128xi32, #tpu.memory_space<vmem>>
      %dma_start3A_172 = tpu.memref_squeeze %dma_start3A_171 : memref<1x128xi32, #tpu.memory_space<vmem>> -> memref<128xi32, #tpu.memory_space<vmem>>
      %dma_start3A_173 = arith.constant 0 : i32
      %dma_start3A_174 = tpu.memref_slice %arg7[%dma_start3A_173] : memref<1048576xf32, #tpu.memory_space<vmem_shared>> -> memref<1048576xf32, #tpu.memory_space<vmem_shared>>
      tpu.enqueue_indirect_dma source(%arg5 : memref<128xf32, #tpu.memory_space<vmem>>) target(%dma_start3A_174 : memref<1048576xf32, #tpu.memory_space<vmem_shared>>) offsets(%dma_start3A_172 : memref<128xi32, #tpu.memory_space<vmem>>) semaphore(%run_scoped3A_169 : memref<!tpu.dma_semaphore, #tpu.memory_space<semaphore_mem>>) {add = true}
      %dma_wait3A_175 = arith.constant 0 : i32
      %dma_wait3A_176 = tpu.memref_slice %arg4[%run_scoped3A, %dma_wait3A_175] : memref<2x128xi32, #tpu.memory_space<vmem>> -> memref<1x128xi32, #tpu.memory_space<vmem>>
      %dma_wait3A_177 = tpu.memref_squeeze %dma_wait3A_176 : memref<1x128xi32, #tpu.memory_space<vmem>> -> memref<128xi32, #tpu.memory_space<vmem>>
      %dma_wait3A_178 = arith.constant 0 : i32
      %dma_wait3A_179 = tpu.memref_slice %arg7[%dma_wait3A_178] : memref<1048576xf32, #tpu.memory_space<vmem_shared>> -> memref<1048576xf32, #tpu.memory_space<vmem_shared>>
      tpu.wait_indirect_dma semaphore(%run_scoped3A_169 : memref<!tpu.dma_semaphore, #tpu.memory_space<semaphore_mem>>) src(%arg5 : memref<128xf32, #tpu.memory_space<vmem>>) dst(%dma_wait3A_179 : memref<1048576xf32, #tpu.memory_space<vmem_shared>>)
      tpu.yield
    }) : () -> ()
    %run_scoped3A_160 = arith.constant 1 : i32
    "tpu.region"() ({
      %run_scoped3A_169 = tpu.sem_alloc : memref<!tpu.dma_semaphore, #tpu.memory_space<semaphore_mem>>
      %dma_start3A_170 = arith.constant 0 : i32
      %dma_start3A_171 = tpu.memref_slice %arg4[%run_scoped3A_160, %dma_start3A_170] : memref<2x128xi32, #tpu.memory_space<vmem>> -> memref<1x128xi32, #tpu.memory_space<vmem>>
      %dma_start3A_172 = tpu.memref_squeeze %dma_start3A_171 : memref<1x128xi32, #tpu.memory_space<vmem>> -> memref<128xi32, #tpu.memory_space<vmem>>
      %dma_start3A_173 = arith.constant 0 : i32
      %dma_start3A_174 = tpu.memref_slice %arg7[%dma_start3A_173] : memref<1048576xf32, #tpu.memory_space<vmem_shared>> -> memref<1048576xf32, #tpu.memory_space<vmem_shared>>
      tpu.enqueue_indirect_dma source(%arg5 : memref<128xf32, #tpu.memory_space<vmem>>) target(%dma_start3A_174 : memref<1048576xf32, #tpu.memory_space<vmem_shared>>) offsets(%dma_start3A_172 : memref<128xi32, #tpu.memory_space<vmem>>) semaphore(%run_scoped3A_169 : memref<!tpu.dma_semaphore, #tpu.memory_space<semaphore_mem>>) {add = true}
      %dma_wait3A_175 = arith.constant 0 : i32
      %dma_wait3A_176 = tpu.memref_slice %arg4[%run_scoped3A_160, %dma_wait3A_175] : memref<2x128xi32, #tpu.memory_space<vmem>> -> memref<1x128xi32, #tpu.memory_space<vmem>>
      %dma_wait3A_177 = tpu.memref_squeeze %dma_wait3A_176 : memref<1x128xi32, #tpu.memory_space<vmem>> -> memref<128xi32, #tpu.memory_space<vmem>>
      %dma_wait3A_178 = arith.constant 0 : i32
      %dma_wait3A_179 = tpu.memref_slice %arg7[%dma_wait3A_178] : memref<1048576xf32, #tpu.memory_space<vmem_shared>> -> memref<1048576xf32, #tpu.memory_space<vmem_shared>>
      tpu.wait_indirect_dma semaphore(%run_scoped3A_169 : memref<!tpu.dma_semaphore, #tpu.memory_space<semaphore_mem>>) src(%arg5 : memref<128xf32, #tpu.memory_space<vmem>>) dst(%dma_wait3A_179 : memref<1048576xf32, #tpu.memory_space<vmem_shared>>)
      tpu.yield
    }) : () -> ()
    %barrier3A_161 = arith.constant 0 : index
    tpu.barrier barrier_id(%barrier3A_161)
    %mul3A_162 = arith.constant 65536 : i32
    %mul3A_163 = arith.muli %arg1, %mul3A_162 : i32
    %mul3A_164 = arith.constant 1048576 : i32
    %mul3A_165 = arith.muli %arg0, %mul3A_164 : i32
    %mul3A_166 = arith.constant 65536 : i32
    %mul3A_167 = arith.muli %arg1, %mul3A_166 : i32
    %add3A_168 = arith.addi %mul3A_165, %mul3A_167 : i32
    "tpu.region"() ({
      %run_scoped3A_169 = tpu.sem_alloc : memref<!tpu.dma_semaphore, #tpu.memory_space<semaphore_mem>>
      %dma_start3A_170 = tpu.memref_slice %arg3[%add3A_168] : memref<2097152xf32, #tpu.memory_space<hbm>> -> memref<65536xf32, #tpu.memory_space<hbm>>
      %dma_start3A_171 = tpu.memref_slice %arg7[%mul3A_163] : memref<1048576xf32, #tpu.memory_space<vmem_shared>> -> memref<65536xf32, #tpu.memory_space<vmem_shared>>
      tpu.enqueue_dma source(%dma_start3A_171 : memref<65536xf32, #tpu.memory_space<vmem_shared>>) target(%dma_start3A_170 : memref<65536xf32, #tpu.memory_space<hbm>>) target_semaphore(%run_scoped3A_169 : memref<!tpu.dma_semaphore, #tpu.memory_space<semaphore_mem>>)
      %dma_wait3A_172 = tpu.memref_slice %arg3[%add3A_168] : memref<2097152xf32, #tpu.memory_space<hbm>> -> memref<65536xf32, #tpu.memory_space<hbm>>
      %dma_wait3A_173 = tpu.memref_slice %arg7[%mul3A_163] : memref<1048576xf32, #tpu.memory_space<vmem_shared>> -> memref<65536xf32, #tpu.memory_space<vmem_shared>>
      tpu.wait_dma2 semaphore(%run_scoped3A_169 : memref<!tpu.dma_semaphore, #tpu.memory_space<semaphore_mem>>) src(%dma_wait3A_173 : memref<65536xf32, #tpu.memory_space<vmem_shared>>) dst(%dma_wait3A_172 : memref<65536xf32, #tpu.memory_space<hbm>>)
      tpu.yield
    }) : () -> ()
    return
  }
}

</mosaic_0001>

<sc_bundles>
// kernel: _stage1.3.cloned.1.call-start
scs
__scs_entry_jumppad:
0x0: {  	(pc) =	sbr.rel $0x88, $3  }
0x1: {  	(tag) =	ssettag $0x0;
	lr =	simm.s32 $0x1  }
0x2: {  	[smem:$0x3FA0] =	sst lr;
	_ =	strace $0xD0000000  }
0x3: {  	_ = 	snop  }
0x4: {  	_ = 	snop  }
0x5: {  	_ = 	snop  }
0x6: {  	_ = 	snop  }
0x7: {  	_ = 	snop  }
__scs_overlays_trampoline_lowered:
0x8: {  	[smem:$0x3FAF] =	sst s0  }
0x9: {  	[smem:$0x3FB0] =	sst s1  }
0xa: {  	[smem:$0x3FB1] =	sst s2  }
0xb: {  	[smem:$0x3FB2] =	sst s3  }
0xc: {  	[smem:$0x3FB3] =	sst s4  }
0xd: {  	[smem:$0x3FB4] =	sst s5  }
0xe: {  	[smem:$0x3FB5] =	sst s6  }
0xf: {  	[smem:$0x3FB6] =	sst s7  }
0x10: {  	[smem:$0x3FB7] =	sst s8  }
0x11: {  	[smem:$0x3FB8] =	sst s9;
	s0 =	simm.s32 @!p0 $0x0  }
0x12: {  	s1 =	sld [smem:$0x3F9E];
	s0 =	simm.s32 @p0 $0x1  }
0x13: {  	[smem:$0x3FB9] =	sst s0;
	s0 =	simm.s32 @!p1 $0x0  }
0x14: {  	s2 =	sld [smem:$0x3F9D];
	s0 =	simm.s32 @p1 $0x1  }
0x15: {  	[smem:$0x3FBA] =	sst s0;
	s0 =	simm.s32 @!p2 $0x0  }
0x16: {  	s3 =	sld [smem:$0x3FDB];
	s0 =	simm.s32 @p2 $0x1  }
0x17: {  	s4 =	simm.s32 $0x1BF5;
	[smem:$0x3FBC] =	sst s0  }
0x18: {  	s0 =	sld [smem:$0x3F9F];
	_ =	swait.ge [sflag:s4], $0x0  }
0x19: {  	s7 =	sld [smem:$0x3FA0]  }
0x1a: {  	s8 =	sadd.s32 $0xFFFFE003, lr  }
0x1b: {  	s9 =	sadd.s32 $0xFFFFFEF7, lr;
	s5 =	simm.s32 $0xFFFFFFFF;
	p2 =	slt.u32 s8, $0xFFFFF086  }
0x1c: {  	p1 =	slt.u32 s9, $0xF7A;
	s5 =	simm.s32 @!p2 $0x0  }
0x1d: {  	s5 =	simm.s32 @p1 $0x1;
	p0 =	seq.s32 s7, s2  }
0x1e: {  	s7 =	smul.u32 @!p0 $0xF7A, s2;
	p2 =	seq.s32 @!p0 s5, $0x0  }
0x1f: {  	s9 =	smul.u32 $0xF7A, s1;
	s8 =	simm.s32 @!p0 $0x1BF5;
	p2 =	por !p2, p0  }
0x20: {  	[sflag:s8] =	ssyncset.s32 @!p0 $0xFFFFF086;
	s6 =	sadd.s32 @!p0 s3, s7;
	s7 =	simm.s32 @!p0 $0x108  }
0x21: {  	s3 =	sadd.s32 s3, s9;
	s6 =	sadd.s32 @!p0 $0x88, s6;
	s7 =	simm.s32 @p2 $0x1082  }
0x22: {  	[simem:s7], [sflag:s8] =	dma.local @!p0 [hbm:s6], $0xF7A  }
0x23: {  	s9 =	sor.u32 $0xD0000000, s2;
	s6 =	simm.s32 $0x108;
	_ =	swait.ge @!p0 [sflag:s8], $0x0  }
0x24: {  	s3 =	sadd.s32 $0x88, s3;
	s6 =	simm.s32 @!p1 $0x1082;
	[sflag:s4] =	ssyncset.s32 $0xFFFFF086  }
0x25: {  	[simem:s6], [sflag:s4] =	dma.local [hbm:s3], $0xF7A  }
0x26: {  	[smem:$0x3FA0] =	sst s1;
	(tag) =	ssettag s2;
	_ =	strace s9  }
0x27: {  	s1 =	sld [smem:$0x3FB0]  }
0x28: {  	s2 =	sld [smem:$0x3FB1]  }
0x29: {  	s4 =	sld [smem:$0x3FB3]  }
0x2a: {  	p0 =	seq.s32 s5, $0x0;
	s5 =	sld [smem:$0x3FB4]  }
0x2b: {  	s6 =	sld [smem:$0x3FB5]  }
0x2c: {  	s7 =	sld [smem:$0x3FB6]  }
0x2d: {  	s3 =	simm.s32 $0x108;
	s8 =	sld [smem:$0x3FB7]  }
0x2e: {  	s3 =	simm.s32 @!p0 $0x1082;
	s9 =	sld [smem:$0x3FB8]  }
0x2f: {  	lr =	sadd.s32 s0, s3;
	s0 =	sld [smem:$0x3FAF]  }
0x30: {  	s3 =	sld [smem:$0x3FB2]  }
0x31: {  	[smem:$0x3FBB] =	sst s10  }
0x32: {  	s10 =	sld [smem:$0x3FB9];
	_ =	sdelay $0x3  }
0x33: {  	p0 =	seq.s32 s10, $0x1;
	s10 =	sld [smem:$0x3FBB];
	_ =	sdelay $0x3  }
0x34: {  	[smem:$0x3FBB] =	sst s10  }
0x35: {  	s10 =	sld [smem:$0x3FBA];
	_ =	sdelay $0x3  }
0x36: {  	p1 =	seq.s32 s10, $0x1;
	s10 =	sld [smem:$0x3FBB];
	_ =	sdelay $0x3  }
0x37: {  	[smem:$0x3FBB] =	sst s10  }
0x38: {  	s10 =	sld [smem:$0x3FBC]  }
0x39: {  	_ = 	snop;
	(pc) =	sbr.ind lr, $3  }
0x3a: {  	_ = 	snop  }
0x3b: {  	_ = 	snop  }
0x3c: {  	p2 =	seq.s32 s10, $0x1;
	s10 =	sld [smem:$0x3FBB]  }
0x3d: {  	_ =	shalt  }
0x3e: {  	_ =	shalt  }
0x3f: {  	_ =	shalt  }
0x40: {  	_ =	shalt  }
0x41: {  	_ =	shalt  }
0x42: {  	_ =	shalt  }
0x43: {  	_ =	shalt  }
0x44: {  	_ =	shalt  }
0x45: {  	_ =	shalt  }
0x46: {  	_ =	shalt  }
0x47: {  	_ =	shalt  }
0x48: {  	_ =	shalt  }
0x49: {  	_ =	shalt  }
0x4a: {  	_ =	shalt  }
0x4b: {  	_ =	shalt  }
0x4c: {  	_ =	shalt  }
0x4d: {  	_ =	shalt  }
0x4e: {  	_ =	shalt  }
0x4f: {  	_ =	shalt  }
0x50: {  	_ =	shalt  }
0x51: {  	_ =	shalt  }
0x52: {  	_ =	shalt  }
0x53: {  	_ =	shalt  }
0x54: {  	_ =	shalt  }
0x55: {  	_ =	shalt  }
0x56: {  	_ =	shalt  }
0x57: {  	_ =	shalt  }
0x58: {  	_ =	shalt  }
0x59: {  	_ =	shalt  }
0x5a: {  	_ =	shalt  }
0x5b: {  	_ =	shalt  }
0x5c: {  	_ =	shalt  }
0x5d: {  	_ =	shalt  }
0x5e: {  	_ =	shalt  }
0x5f: {  	_ =	shalt  }
0x60: {  	_ =	shalt  }
0x61: {  	_ =	shalt  }
0x62: {  	_ =	shalt  }
0x63: {  	_ =	shalt  }
0x64: {  	_ =	shalt  }
0x65: {  	_ =	shalt  }
0x66: {  	_ =	shalt  }
0x67: {  	_ =	shalt  }
0x68: {  	_ =	shalt  }
0x69: {  	_ =	shalt  }
0x6a: {  	_ =	shalt  }
0x6b: {  	_ =	shalt  }
0x6c: {  	_ =	shalt  }
0x6d: {  	_ =	shalt  }
0x6e: {  	_ =	shalt  }
0x6f: {  	_ =	shalt  }
0x70: {  	_ =	shalt  }
0x71: {  	_ =	shalt  }
0x72: {  	_ =	shalt  }
0x73: {  	_ =	shalt  }
0x74: {  	_ =	shalt  }
0x75: {  	_ =	shalt  }
0x76: {  	_ =	shalt  }
0x77: {  	_ =	shalt  }
0x78: {  	_ =	shalt  }
0x79: {  	_ =	shalt  }
0x7a: {  	_ =	shalt  }
0x7b: {  	_ =	shalt  }
0x7c: {  	_ =	shalt  }
0x7d: {  	_ =	shalt  }
0x7e: {  	_ =	shalt  }
0x7f: {  	_ =	shalt  }
0x80: {  	_ =	shalt  }
0x81: {  	_ =	shalt  }
0x82: {  	_ =	shalt  }
0x83: {  	_ =	shalt  }
0x84: {  	_ =	shalt  }
0x85: {  	_ =	shalt  }
0x86: {  	_ =	shalt  }
0x87: {  	_ =	shalt  }
.Lfunc_end0:
.L_simem_size_0:
called_computation_lowered:
.L_overlay_start_0:
0x88: {  	s2 =	sld [smem:$0x3FD9]  }
0x89: {  	s3 =	sld [smem:$0x3FFE];
	_ =	sdelay $0x1  }
0x8a: {  	s1 =	srdreg.scid  }
0x8b: {  	s0 =	sand.u32 $0x1, s1  }
0x8c: {  	s18 =	sshll.u32 s0, $0xA;
	s2 =	sadd.s32 s3, s2  }
0x8d: {  	s2 =	sadd.s32 s2, s18  }
0x8e: {  	[smem:$0x3FC7] =	sst s2  }
0x8f: {  	_ = 	snop  }
0x90: {  	s2 =	sld [smem:$0x3FC9]  }
0x91: {  	s19 =	sld [smem:$0x3FD0];
	(tm) =	ssettm $0x1  }
0x92: {  	s4 =	sld [smem:$0x3FFB];
	_ =	sdelay $0x3  }
0x93: {  	_ =	strace s4  }
0x94: {  	s4 =	sld [smem:$0x3FFC];
	_ =	sdelay $0x3  }
0x95: {  	_ =	strace s4  }
0x96: {  	s4 =	sld [smem:$0x3FFD];
	_ =	sdelay $0x3  }
0x97: {  	_ =	strace s4  }
0x98: {  	_ =	strace $0x8FFFFFFF  }
0x99: {  	s20 =	sld [smem:$0x3FDB];
	_ =	sdelay $0x1  }
0x9a: {  	s5 =	simm.s32 $_scs_section_size  }
0x9b: {  	s6 =	simm.s32 $_size__tile_overlayer_lowered;
	s7 =	simm.s32 $_tile_overlayer_lowered  }
0x9c: {  	s23 =	simm.s32 $0x1BFF;
	s22 =	sshll.u32 s7, $0x1;
	s4 =	sadd.s32 s5, s20  }
0x9d: {  	s8 =	simm.s32 $0x0;
	s21 =	sshll.u32 s6, $0x1;
	s6 =	sadd.s32 s22, s4  }
0x9e: {  	[timem:s8], [sflag:s23] =	dma.local [hbm:s6], s21  }
0x9f: {  	_ =	swait.ge [sflag:s23], s21  }
0xa0: {  	s5 =	ssub.s32 $0x0, s21;
	[sflag:s23] =	ssyncset.done $0x0  }
0xa1: {  	[sflag:s23] =	ssyncadd.s32 s5;
	_ =	sdelay $0x1  }
0xa2: {  	s24 =	simm.s32 $0x1B8B  }
0xa3: {  	_ =	swait.ge [sflag:s24], $0x1  }
0xa4: {  	[sflag:s24] =	ssyncset.done $0x0  }
0xa5: {  	s25 =	simm.s32 $0x1B8E;
	[sflag:s24] =	ssyncadd.s32 $0xFFFFFFFF  }
0xa6: {  	s26 =	simm.s32 $execute0_lowered;
	[smem:$0x3FD2] =	sst s25  }
0xa7: {  	s5 =	sshll.u32 s26, $0x1;
	_ =	strace $0x80000046;
	[dreg:$0x1] =	wrdreg $0xFFFFFFFF  }
0xa8: {  	s28 =	simm.s32 $_size_execute0_lowered;
	s4 =	sadd.s32 s4, s5;
	[dreg:$0x0] =	wrdreg $0x0  }
0xa9: {  	s5 =	sshll.u32 s28, $0x1;
	[dreg:$0x2] =	wrdreg s4  }
0xaa: {  	[dreg:$0x3] =	wrdreg s5  }
0xab: {  	[dreg:$0x4] =	wrdreg $0xC0  }
0xac: {  	_ =	task [dreg:s8], $0x5FFFF  }
0xad: {  	[dreg:$0x1] =	wrdreg $0xFFFFFFFF  }
0xae: {  	[dreg:$0x0] =	wrdreg $0x60  }
0xaf: {  	[dreg:$0x2] =	wrdreg s2  }
0xb0: {  	[dreg:$0x3] =	wrdreg s19  }
0xb1: {  	[dreg:$0x4] =	wrdreg $0x21800  }
0xb2: {  	[dreg:$0x5] =	wrdreg $0x9  }
0xb3: {  	_ =	task.clear_ibuf [dreg:s8], $0x6FFFF;
	_ =	strace $0x90000046  }
0xb4: {  	s29 =	simm.s32 $0x9;
	_ =	strace $0x80000048  }
0xb5: {  	_ =	swait.ge [sflag:s29], $0x1  }
0xb6: {  	[sflag:s29] =	ssyncadd.s32 $0xFFFFFFFF  }
0xb7: {  	_ =	strace $0x90000048  }
0xb8: {  	_ =	sfence  }
0xb9: {  	s30 =	sld [smem:$0x0];
	_ =	sdelay $0x2  }
0xba: {  	s31 =	sshll.u32 s1, $0xD;
	s1 =	sshrl.u32 s1, $0x2  }
0xbb: {  	s3 =	sand.u32 $0x4000, s31;
	s1 =	sadd.s32 s1, s30  }
0xbc: {  	s0 =	sor.u32 s3, s0;
	s1 =	sshll.u32 s1, $0x11  }
0xbd: {  	s0 =	sor.u32 s1, s0  }
0xbe: {  	s0 =	sadd.s32 $0x8F2B, s0  }
0xbf: {  	[sflag:s0] =	ssyncadd.remote.s32 $0x1  }
0xc0: {  	_ =	sfence.sel $0xFFFF  }
0xc1: {  	[dreg:$0x0] =	wrdreg $0xFFFFFFFF;
	(pc) =	sbr.abs _section_cstart, $3  }
0xc2: {  	[dreg:$0x1] =	wrdreg $0xFFFFFFFF  }
0xc3: {  	_ =	task.clear_ibuf [dreg:s8], $0x2FFFF;
	_ =	strace $0x9FFFFFFF  }
0xc4: {  	(tm) =	ssettm $0x7FFFFFFF  }
0xc5: {  	_ =	shalt  }
tec
execute0_lowered:
.L_overlay_start_1:
0x0: {  	(tag) =	ssettag $0x1  }
0x1: {  	s4 =	rddreg [dreg:$0x0]  }
0x2: {  	s14 =	rddreg [dreg:$0x1]  }
0x3: {  	s2 =	rddreg [dreg:$0x2]  }
0x4: {  	s0 =	rddreg [dreg:$0x3];
	s5 =	srdreg.scid  }
0x5: {  	s3 =	simm.s32 $0x0;
	s1 =	stileid.u32;
	s17 =	simm.s32 $0x180  }
0x6: {  	s18 =	simm.s32 $0x1;
	s19 =	simm.s32 $0x2;
	s20 =	simm.s32 $0x100  }
0x7: {  	s21 =	simm.s32 $0x3;
	s24 =	simm.s32 $0x0;
	s9 =	sand.u32 $0x1, s5  }
0x8: {  	[smem:$0x7FF] =	sst s3;
	s22 =	sshll.u32 s1, $0x6;
	s11 =	sshll.u32 s1, $0x10  }
0x9: {  	s5 =	sshll.u32 s9, $0x5;
	_ =	strace $0x80000047;
	s6 =	ssub.s32 $0x2, s9  }
0xa: {  	s12 =	sshll.u32 s9, $0x14;
	s5 =	sor.u32 s5, s22;
	s7 =	sshrl.u32 s6, $0x1  }
0xb: {  	s13 =	sor.u32 s11, s12;
	s22 =	sor.u32 $0x1C03, s22;
	s4 =	sadd.s32 s4, s5  }
0xc: {  	s15 =	ssub.s32 s6, s7;
	s6 =	sadd.s32 s11, s2;
	s16 =	sshrl.u32 s13, $0x3  }
0xd: {  	s5 =	sadd.s32 $0x10, s4;
	s7 =	sadd.s32 $0x2000, s6;
	s8 =	sadd.s32 $0x4000, s6  }
0xe: {  	s9 =	sadd.s32 $0x6000, s6;
	s10 =	sadd.s32 $0x8000, s6;
	s11 =	sadd.s32 $0xA000, s6  }
0xf: {  	s12 =	sadd.s32 $0xC000, s6;
	s13 =	sadd.s32 $0xE000, s6;
	s14 =	sadd.s32 s14, s16  }
0x10: {  	v0 =	vimm.f32 $0.0e+00;
	v1 =	vimm.f32 $1.000000000e+00;
	s15 =	smax.u32 s15, $0x1;
	s16 =	simm.s32 $0x80;
	s23 =	sshrl.u32 s6, $0x3  }
.LBB2_1:
0x11: {  	[tilespmem:s3], [sflag:$0x1] =	stream.linear.gather [hbm4b:s4+s3], $0x80, $0x38;
	[tilespmem:$0x12180] =	vst v63  }
0x12: {  	s25 =	simm.s32 $0x40;
	s26 =	simm.s32 $0x0  }
0x13: {  	[tilespmem:s16], [sflag:$0x1] =	stream.linear.gather [hbm4b:s5+s3], $0x80, $0x38;
	[tilespmem:$0x12180] =	vst v63  }
.LBB2_2:
0x14: {  	p0 =	sne.s32 s25, $0x7FC0;
	[tilespmem:s26+$0x180] =	vst v0;
	s26 =	smov.u32 s25;
	s25 =	sadd.s32 $0x40, s25  }
.Ltmp0:
0x15: {  	(pc) =	sbr.rel @p0 .LBB2_2-.Ltmp0, $2  }
0x16: {  	_ =	sdelay $0x2  }
0x17: {  	s26 =	sshra.s32 s26, $0x2  }
0x18: {  	[tilespmem:s26+$0x180] =	vst v0  }
0x19: {  	[tilespmem:$0x100] =	vst v1  }
0x1a: {  	[tilespmem:$0x110] =	vst v1  }
0x1b: {  	[tilespmem:$0x120] =	vst v1  }
0x1c: {  	[tilespmem:$0x130] =	vst v1  }
0x1d: {  	[tilespmem:$0x140] =	vst v1  }
0x1e: {  	[tilespmem:$0x150] =	vst v1  }
0x1f: {  	[tilespmem:$0x160] =	vst v1  }
0x20: {  	[tilespmem:$0x170] =	vst v1  }
0x21: {  	[spmem:s6] =	stream.linear.scatter [tilespmem:s17], [sflag:$0x2], $0x2000, $0x38;
	[tilespmem:$0x12180] =	vst v63  }
0x22: {  	_ = 	snop  }
0x23: {  	[spmem:s7] =	stream.linear.scatter [tilespmem:s17], [sflag:$0x2], $0x2000, $0x38;
	[tilespmem:$0x12180] =	vst v63  }
0x24: {  	_ = 	snop  }
0x25: {  	[spmem:s8] =	stream.linear.scatter [tilespmem:s17], [sflag:$0x2], $0x2000, $0x38;
	[tilespmem:$0x12180] =	vst v63  }
0x26: {  	_ = 	snop  }
0x27: {  	[spmem:s9] =	stream.linear.scatter [tilespmem:s17], [sflag:$0x2], $0x2000, $0x38;
	[tilespmem:$0x12180] =	vst v63  }
0x28: {  	_ = 	snop  }
0x29: {  	[spmem:s10] =	stream.linear.scatter [tilespmem:s17], [sflag:$0x2], $0x2000, $0x38;
	[tilespmem:$0x12180] =	vst v63  }
0x2a: {  	_ = 	snop  }
0x2b: {  	[spmem:s11] =	stream.linear.scatter [tilespmem:s17], [sflag:$0x2], $0x2000, $0x38;
	[tilespmem:$0x12180] =	vst v63  }
0x2c: {  	_ = 	snop  }
0x2d: {  	[spmem:s12] =	stream.linear.scatter [tilespmem:s17], [sflag:$0x2], $0x2000, $0x38;
	[tilespmem:$0x12180] =	vst v63  }
0x2e: {  	_ = 	snop  }
0x2f: {  	[spmem:s13] =	stream.linear.scatter [tilespmem:s17], [sflag:$0x2], $0x2000, $0x38;
	[tilespmem:$0x12180] =	vst v63  }
0x30: {  	_ =	swait.ge [sflag:s18], $0x80  }
0x31: {  	[sflag:s18] =	ssyncset.done $0x0  }
0x32: {  	[sflag:s18] =	ssyncadd.s32 $0xFFFFFF80  }
0x33: {  	_ =	swait.ge [sflag:s18], $0x80  }
0x34: {  	[sflag:s18] =	ssyncset.done $0x0  }
0x35: {  	[sflag:s18] =	ssyncadd.s32 $0xFFFFFF80  }
0x36: {  	_ =	swait.ge [sflag:s19], $0x2000  }
0x37: {  	[sflag:s19] =	ssyncset.done $0x0  }
0x38: {  	[sflag:s19] =	ssyncadd.s32 $0xFFFFE000  }
0x39: {  	_ =	swait.ge [sflag:s19], $0x2000  }
0x3a: {  	[sflag:s19] =	ssyncset.done $0x0  }
0x3b: {  	[sflag:s19] =	ssyncadd.s32 $0xFFFFE000  }
0x3c: {  	_ =	swait.ge [sflag:s19], $0x2000  }
0x3d: {  	[sflag:s19] =	ssyncset.done $0x0  }
0x3e: {  	[sflag:s19] =	ssyncadd.s32 $0xFFFFE000  }
0x3f: {  	_ =	swait.ge [sflag:s19], $0x2000  }
0x40: {  	[sflag:s19] =	ssyncset.done $0x0  }
0x41: {  	[sflag:s19] =	ssyncadd.s32 $0xFFFFE000  }
0x42: {  	_ =	swait.ge [sflag:s19], $0x2000  }
0x43: {  	[sflag:s19] =	ssyncset.done $0x0  }
0x44: {  	[sflag:s19] =	ssyncadd.s32 $0xFFFFE000  }
0x45: {  	_ =	swait.ge [sflag:s19], $0x2000  }
0x46: {  	[sflag:s19] =	ssyncset.done $0x0  }
0x47: {  	[sflag:s19] =	ssyncadd.s32 $0xFFFFE000  }
0x48: {  	_ =	swait.ge [sflag:s19], $0x2000  }
0x49: {  	[sflag:s19] =	ssyncset.done $0x0  }
0x4a: {  	[sflag:s19] =	ssyncadd.s32 $0xFFFFE000  }
0x4b: {  	_ =	swait.ge [sflag:s19], $0x2000  }
0x4c: {  	[sflag:s19] =	ssyncset.done $0x0  }
0x4d: {  	[sflag:s19] =	ssyncadd.s32 $0xFFFFE000  }
0x4e: {  	[bflag:$0x0] =	sbarrier.arrive $0xFFFF  }
0x4f: {  	[spmem:s2] =	stream.indirect.scatter.add.f32 [tilespmem:s20], [sflag:$0x3], $0x1, s3, s16, $0xb8;
	[tilespmem:$0x12180] =	vst v63  }
0x50: {  	_ =	swait.ge [sflag:s21], $0x80  }
0x51: {  	[sflag:s21] =	ssyncset.done $0x0  }
0x52: {  	[sflag:s21] =	ssyncadd.s32 $0xFFFFFF80  }
0x53: {  	[spmem:s2] =	stream.indirect.scatter.add.f32 [tilespmem:s20], [sflag:$0x3], $0x1, s16, s16, $0xb8;
	[tilespmem:$0x12180] =	vst v63  }
0x54: {  	_ =	swait.ge [sflag:s21], $0x80  }
0x55: {  	s24 =	sadd.s32 $0x1, s24;
	[sflag:s21] =	ssyncset.done $0x0  }
0x56: {  	p0 =	sne.s32 s24, s15;
	[sflag:s21] =	ssyncadd.s32 $0xFFFFFF80  }
.Ltmp1:
0x57: {  	[bflag:$0x0] =	sbarrier.arrive $0xFFFF;
	(pc) =	sbr.rel @p0 .LBB2_1-.Ltmp1, $4  }
0x58: {  	[hbm:s14], [sflag:s22] =	dma.local [spmem:s23], $0x2000  }
0x59: {  	_ =	swait.ge [sflag:s21], $0x2000  }
0x5a: {  	[sflag:s21] =	ssyncset.done $0x0  }
0x5b: {  	[sflag:s21] =	ssyncadd.s32 $0xFFFFE000  }
0x5c: {  	_ =	sfence.sel $0x180000  }
0x5d: {  	[bflag:$0x0] =	sbarrier.arrive $0xFFFF  }
0x5e: {  	p0 =	sne.s32 s1, $0x0;
	_ =	strace $0x90000047  }
0x5f: {  	s0 =	sadd.s32 @!p0 $0x100000, s0;
	[bflag:$0x2] =	sbarrier.arrive $0xFFFF  }
0x60: {  	[sflag:s0] =	ssyncadd.tile.s32 @!p0 $0x1;
	_ =	shalt  }
.Lfunc_end2:
_tile_overlayer_lowered:
.L_overlay_start_2:
0x61: {  	(tag) =	ssettag $0x2  }
0x62: {  	s0 =	rddreg [dreg:$0x0];
	s2 =	stileid.u32  }
0x63: {  	s1 =	rddreg [dreg:$0x1];
	p0 =	sne.s32 s2, $0x0  }
0x64: {  	s3 =	rddreg [dreg:$0x2];
	[bflag:$0x3] =	sbarrier.arrive $0xFFFF;
	s2 =	simm.s32 @!p0 $0x1C03  }
0x65: {  	[timem:s3], [sflag:s2] =	dma.local @!p0 [hbm:s0], s1  }
0x66: {  	s0 =	simm.s32 @!p0 $0x3  }
0x67: {  	_ =	swait.ge @!p0 [sflag:s0], s1  }
0x68: {  	s1 =	ssub.s32 @!p0 $0x0, s1;
	[sflag:s0] =	ssyncset.done @!p0 $0x0  }
0x69: {  	[sflag:s0] =	ssyncadd.s32 @!p0 s1  }
0x6a: {  	[bflag:$0x3] =	sbarrier.arrive $0xFFFF  }
0x6b: {  	_ =	shalt  }

</sc_bundles>
